<compile_context>
chip_gen: v7x
topology: tpu7x:2x2x1
jax: 0.10.2.dev20260603
libtpu: 0.0.44.dev20260713+nightly
codegen_flags: <defaults>
</compile_context>

<pallas_src>
import functools

import jax
import jax.numpy as jnp
from jax import lax
from jax.experimental import pallas as pl
from jax.experimental.pallas import tpu as pltpu
from jax.experimental.pallas import tpu_sc as plsc

N_NODES = 10000
N_EDGES = 320000
D_FEAT = 128
HIDDEN = 64
D_EDGE = 16
N_CLASSES = 2

SC_CORES = 2
SC_SUBCORES = 16
NW = SC_CORES * SC_SUBCORES
EPW = N_EDGES // NW
CH = 80
N_CHUNKS = EPW // CH


def _project(x, w1s, w1d):
    def body(x_ref, ws_ref, wd_ref, os_ref, od_ref):
        xb = x_ref[...]
        os_ref[...] = jnp.dot(xb, ws_ref[...], preferred_element_type=jnp.float32)
        od_ref[...] = jnp.dot(xb, wd_ref[...], preferred_element_type=jnp.float32)

    rb = 1000
    return pl.pallas_call(
        body,
        grid=(N_NODES // rb,),
        in_specs=[
            pl.BlockSpec((rb, D_FEAT), lambda i: (i, 0)),
            pl.BlockSpec((D_FEAT, HIDDEN), lambda i: (0, 0)),
            pl.BlockSpec((D_FEAT, HIDDEN), lambda i: (0, 0)),
        ],
        out_specs=[
            pl.BlockSpec((rb, HIDDEN), lambda i: (i, 0)),
            pl.BlockSpec((rb, HIDDEN), lambda i: (i, 0)),
        ],
        out_shape=[
            jax.ShapeDtypeStruct((N_NODES, HIDDEN), jnp.float32),
            jax.ShapeDtypeStruct((N_NODES, HIDDEN), jnp.float32),
        ],
    )(x, w1s, w1d)


def _gather_sum(xs, xd, src3, dst3):
    mesh = plsc.VectorSubcoreMesh(core_axis_name="c", subcore_axis_name="s")

    @functools.partial(
        pl.kernel,
        out_type=jax.ShapeDtypeStruct((N_EDGES, HIDDEN), jnp.float32),
        mesh=mesh,
        scratch_types=[
            pltpu.VMEM((N_CHUNKS, CH), jnp.int32),
            pltpu.VMEM((N_CHUNKS, CH), jnp.int32),
            pltpu.VMEM((CH, HIDDEN), jnp.float32),
        ],
        compiler_params=pltpu.CompilerParams(use_tc_tiling_on_sc=False),
    )
    def k(xs_hbm, xd_hbm, src_hbm, dst_hbm, g_hbm, src_v, dst_v, gbuf):
        wid = lax.axis_index("s") * SC_CORES + lax.axis_index("c")
        base = wid * EPW
        pltpu.sync_copy(src_hbm.at[wid], src_v)
        pltpu.sync_copy(dst_hbm.at[wid], dst_v)

        def body(j, carry):
            pltpu.sync_copy(xs_hbm.at[src_v.at[j]], gbuf)
            pltpu.sync_copy(xd_hbm.at[dst_v.at[j]], gbuf, add=True)
            pltpu.sync_copy(gbuf, g_hbm.at[pl.ds(base + j * CH, CH)])
            return carry

        lax.fori_loop(0, N_CHUNKS, body, 0)

    return k(xs, xd, src3, dst3)


def _mlp(g, edge_attr, w1e, b1, w2, b2):
    def body(g_ref, ea_ref, w1e_ref, b1_ref, w2_ref, b2_ref, o_ref):
        h = g_ref[...] + jnp.dot(ea_ref[...], w1e_ref[...],
                                 preferred_element_type=jnp.float32)
        h = jnp.maximum(h + b1_ref[0:1, :], 0.0)
        o_ref[...] = jnp.dot(h, w2_ref[...],
                             preferred_element_type=jnp.float32) + b2_ref[0:1, :]

    cb = 5000
    b1p = jnp.tile(b1.reshape(1, HIDDEN), (8, 1))
    b2p = jnp.tile(b2.reshape(1, N_CLASSES), (8, 1))
    return pl.pallas_call(
        body,
        grid=(N_EDGES // cb,),
        in_specs=[
            pl.BlockSpec((cb, HIDDEN), lambda i: (i, 0)),
            pl.BlockSpec((cb, D_EDGE), lambda i: (i, 0)),
            pl.BlockSpec((D_EDGE, HIDDEN), lambda i: (0, 0)),
            pl.BlockSpec((8, HIDDEN), lambda i: (0, 0)),
            pl.BlockSpec((HIDDEN, N_CLASSES), lambda i: (0, 0)),
            pl.BlockSpec((8, N_CLASSES), lambda i: (0, 0)),
        ],
        out_specs=pl.BlockSpec((cb, N_CLASSES), lambda i: (i, 0)),
        out_shape=jax.ShapeDtypeStruct((N_EDGES, N_CLASSES), jnp.float32),
    )(g, edge_attr, w1e, b1p, w2, b2p)


def kernel(x, edge_index, edge_attr, batch_ids, W1, b1, W2, b2):
    del batch_ids
    src = edge_index[0].astype(jnp.int32).reshape(NW, N_CHUNKS, CH)
    dst = edge_index[1].astype(jnp.int32).reshape(NW, N_CHUNKS, CH)
    w1s = W1[0:D_FEAT]
    w1d = W1[D_FEAT:2 * D_FEAT]
    w1e = W1[2 * D_FEAT:]
    xs, xd = _project(x, w1s, w1d)
    g = _gather_sum(xs, xd, src, dst)
    return _mlp(g, edge_attr, w1e, b1, W2, b2)

# --- scband reference (transcript-rebuilt; emitter-appended) ---
"""Pipeline reference for scband-interaction-model-58377195487693 (READ-ONLY COPY).

The authoritative reference and input builder live on the scoring server;
editing this copy changes nothing except your own understanding.
"""

import jax, jax.numpy as jnp
import numpy as np

N_NODES = 10000
N_EDGES = 320000
D_FEAT = 128
D_EDGE = 16
HIDDEN = 64
N_CLASSES = 2


def setup_inputs(seed: int = 0) -> dict:
    key = jax.random.key(seed)
    k1, k2, k3, k4, k5, k6 = jax.random.split(key, 6)
    x = jax.random.normal(k1, (N_NODES, D_FEAT), dtype=jnp.float32)
    edge_index = jax.random.randint(k2, (2, N_EDGES), 0, N_NODES, dtype=jnp.int64)
    edge_attr = jax.random.normal(k3, (N_EDGES, D_EDGE), dtype=jnp.float32)
    batch_ids = jnp.sort(jax.random.randint(k4, (N_NODES,), 0, 64, dtype=jnp.int64))
    d_in = 2 * D_FEAT + D_EDGE
    W1 = jax.random.normal(k5, (d_in, HIDDEN), dtype=jnp.float32) / np.sqrt(d_in)
    b1 = jnp.zeros((HIDDEN,), dtype=jnp.float32)
    W2 = jax.random.normal(k6, (HIDDEN, N_CLASSES), dtype=jnp.float32) / np.sqrt(HIDDEN)
    b2 = jnp.zeros((N_CLASSES,), dtype=jnp.float32)
    return {"x": x, "edge_index": edge_index, "edge_attr": edge_attr,
            "batch_ids": batch_ids, "W1": W1, "b1": b1, "W2": W2, "b2": b2}


def reference(x, edge_index, edge_attr, batch_ids, W1, b1, W2, b2):
    # 'edge_only' edge predictor: for each edge, gather source and destination
    # node features, concatenate with the edge attributes, and run an edge MLP
    # to produce per-edge on/off logits (edge_pred).
    src = edge_index[0]
    dst = edge_index[1]
    x_src = jnp.take(x, src, axis=0)   # gather [E, D_FEAT]
    x_dst = jnp.take(x, dst, axis=0)   # gather [E, D_FEAT]
    feat = jnp.concatenate([x_src, x_dst, edge_attr], axis=1)  # [E, 2*D+DE]
    h = jax.nn.relu(feat @ W1 + b1)
    edge_pred = h @ W2 + b2            # [E, N_CLASSES]
    return edge_pred

if __name__ == "__main__":
    import jax
    _d = setup_inputs()
    print(jax.jit(kernel)(*tuple(_d.values())))

</pallas_src>

<mosaic_0001>
#map = affine_map<(d0, d1) -> (0, 0)>
#map1 = affine_map<(d0, d1) -> (0, 0, 0)>
module attributes {stable_mosaic.version = 14 : i64} {
  func.func @k(%arg0: i32, %arg1: i32, %arg2: memref<10000x64xf32, #tpu.memory_space<hbm>>, %arg3: memref<10000x64xf32, #tpu.memory_space<hbm>>, %arg4: memref<32x125x80xi32, #tpu.memory_space<hbm>>, %arg5: memref<32x125x80xi32, #tpu.memory_space<hbm>>, %arg6: memref<320000x64xf32, #tpu.memory_space<hbm>>, %arg7: memref<125x80xi32, #tpu.memory_space<vmem>>, %arg8: memref<125x80xi32, #tpu.memory_space<vmem>>, %arg9: memref<80x64xf32, #tpu.memory_space<vmem>>) attributes {dimension_semantics = [#tpu.dimension_semantics<core_parallel>, #tpu.dimension_semantics<subcore_parallel>], iteration_bounds = array<i64: 2, 16>, scalar_prefetch = 0 : i64, scratch_operands = 3 : i64, tpu.core_type = #tpu.core_type<sc_vector_subcore>, window_params = [{transform_indices = #map}, {transform_indices = #map}, {transform_indices = #map1}, {transform_indices = #map1}, {transform_indices = #map}]} {
    %mul3A = arith.constant 2 : i32
    %mul3A_0 = arith.muli %arg1, %mul3A : i32
    %add3A = arith.addi %mul3A_0, %arg0 : i32
    %mul3A_1 = arith.constant 10000 : i32
    %mul3A_2 = arith.muli %add3A, %mul3A_1 : i32
    "tpu.region"() ({
      %run_scoped3A = tpu.sem_alloc : memref<!tpu.dma_semaphore, #tpu.memory_space<semaphore_mem>>
      %dma_start3A = arith.constant 0 : i32
      %dma_start3A_8 = arith.constant 0 : i32
      %dma_start3A_9 = tpu.memref_slice %arg4[%add3A, %dma_start3A, %dma_start3A_8] : memref<32x125x80xi32, #tpu.memory_space<hbm>> -> memref<1x125x80xi32, #tpu.memory_space<hbm>>
      %dma_start3A_10 = tpu.memref_squeeze %dma_start3A_9 : memref<1x125x80xi32, #tpu.memory_space<hbm>> -> memref<125x80xi32, #tpu.memory_space<hbm>>
      %dma_start3A_11 = arith.constant 0 : i32
      %dma_start3A_12 = arith.constant 0 : i32
      %dma_start3A_13 = tpu.memref_slice %arg4[%add3A, %dma_start3A_11, %dma_start3A_12] : memref<32x125x80xi32, #tpu.memory_space<hbm>> -> memref<1x125x80xi32, #tpu.memory_space<hbm>>
      %dma_start3A_14 = tpu.memref_squeeze %dma_start3A_13 : memref<1x125x80xi32, #tpu.memory_space<hbm>> -> memref<125x80xi32, #tpu.memory_space<hbm>>
      tpu.enqueue_dma source(%dma_start3A_14 : memref<125x80xi32, #tpu.memory_space<hbm>>) target(%arg7 : memref<125x80xi32, #tpu.memory_space<vmem>>) target_semaphore(%run_scoped3A : memref<!tpu.dma_semaphore, #tpu.memory_space<semaphore_mem>>)
      %dma_wait3A = arith.constant 0 : i32
      %dma_wait3A_15 = arith.constant 0 : i32
      %dma_wait3A_16 = tpu.memref_slice %arg4[%add3A, %dma_wait3A, %dma_wait3A_15] : memref<32x125x80xi32, #tpu.memory_space<hbm>> -> memref<1x125x80xi32, #tpu.memory_space<hbm>>
      %dma_wait3A_17 = tpu.memref_squeeze %dma_wait3A_16 : memref<1x125x80xi32, #tpu.memory_space<hbm>> -> memref<125x80xi32, #tpu.memory_space<hbm>>
      %dma_wait3A_18 = arith.constant 0 : i32
      %dma_wait3A_19 = arith.constant 0 : i32
      %dma_wait3A_20 = tpu.memref_slice %arg4[%add3A, %dma_wait3A_18, %dma_wait3A_19] : memref<32x125x80xi32, #tpu.memory_space<hbm>> -> memref<1x125x80xi32, #tpu.memory_space<hbm>>
      %dma_wait3A_21 = tpu.memref_squeeze %dma_wait3A_20 : memref<1x125x80xi32, #tpu.memory_space<hbm>> -> memref<125x80xi32, #tpu.memory_space<hbm>>
      tpu.wait_dma2 semaphore(%run_scoped3A : memref<!tpu.dma_semaphore, #tpu.memory_space<semaphore_mem>>) src(%dma_wait3A_21 : memref<125x80xi32, #tpu.memory_space<hbm>>) dst(%arg7 : memref<125x80xi32, #tpu.memory_space<vmem>>)
      tpu.yield
    }) : () -> ()
    "tpu.region"() ({
      %run_scoped3A = tpu.sem_alloc : memref<!tpu.dma_semaphore, #tpu.memory_space<semaphore_mem>>
      %dma_start3A = arith.constant 0 : i32
      %dma_start3A_8 = arith.constant 0 : i32
      %dma_start3A_9 = tpu.memref_slice %arg5[%add3A, %dma_start3A, %dma_start3A_8] : memref<32x125x80xi32, #tpu.memory_space<hbm>> -> memref<1x125x80xi32, #tpu.memory_space<hbm>>
      %dma_start3A_10 = tpu.memref_squeeze %dma_start3A_9 : memref<1x125x80xi32, #tpu.memory_space<hbm>> -> memref<125x80xi32, #tpu.memory_space<hbm>>
      %dma_start3A_11 = arith.constant 0 : i32
      %dma_start3A_12 = arith.constant 0 : i32
      %dma_start3A_13 = tpu.memref_slice %arg5[%add3A, %dma_start3A_11, %dma_start3A_12] : memref<32x125x80xi32, #tpu.memory_space<hbm>> -> memref<1x125x80xi32, #tpu.memory_space<hbm>>
      %dma_start3A_14 = tpu.memref_squeeze %dma_start3A_13 : memref<1x125x80xi32, #tpu.memory_space<hbm>> -> memref<125x80xi32, #tpu.memory_space<hbm>>
      tpu.enqueue_dma source(%dma_start3A_14 : memref<125x80xi32, #tpu.memory_space<hbm>>) target(%arg8 : memref<125x80xi32, #tpu.memory_space<vmem>>) target_semaphore(%run_scoped3A : memref<!tpu.dma_semaphore, #tpu.memory_space<semaphore_mem>>)
      %dma_wait3A = arith.constant 0 : i32
      %dma_wait3A_15 = arith.constant 0 : i32
      %dma_wait3A_16 = tpu.memref_slice %arg5[%add3A, %dma_wait3A, %dma_wait3A_15] : memref<32x125x80xi32, #tpu.memory_space<hbm>> -> memref<1x125x80xi32, #tpu.memory_space<hbm>>
      %dma_wait3A_17 = tpu.memref_squeeze %dma_wait3A_16 : memref<1x125x80xi32, #tpu.memory_space<hbm>> -> memref<125x80xi32, #tpu.memory_space<hbm>>
      %dma_wait3A_18 = arith.constant 0 : i32
      %dma_wait3A_19 = arith.constant 0 : i32
      %dma_wait3A_20 = tpu.memref_slice %arg5[%add3A, %dma_wait3A_18, %dma_wait3A_19] : memref<32x125x80xi32, #tpu.memory_space<hbm>> -> memref<1x125x80xi32, #tpu.memory_space<hbm>>
      %dma_wait3A_21 = tpu.memref_squeeze %dma_wait3A_20 : memref<1x125x80xi32, #tpu.memory_space<hbm>> -> memref<125x80xi32, #tpu.memory_space<hbm>>
      tpu.wait_dma2 semaphore(%run_scoped3A : memref<!tpu.dma_semaphore, #tpu.memory_space<semaphore_mem>>) src(%dma_wait3A_21 : memref<125x80xi32, #tpu.memory_space<hbm>>) dst(%arg8 : memref<125x80xi32, #tpu.memory_space<vmem>>)
      tpu.yield
    }) : () -> ()
    %scan3A = arith.constant 0 : i32
    %scan3A_3 = arith.constant 0 : i32
    %scan3A_4 = arith.constant 125 : i32
    %scan3A_5 = arith.addi %scan3A_3, %scan3A_4 : i32
    %scan3A_6 = arith.constant 1 : i32
    scf.for %scan3A_8 = %scan3A_3 to %scan3A_5 step %scan3A_6  : i32 {
      "tpu.region"() ({
        %run_scoped3A = tpu.sem_alloc : memref<!tpu.dma_semaphore, #tpu.memory_space<semaphore_mem>>
        %dma_start3A = arith.constant 0 : i32
        %dma_start3A_12 = tpu.memref_slice %arg7[%scan3A_8, %dma_start3A] : memref<125x80xi32, #tpu.memory_space<vmem>> -> memref<1x80xi32, #tpu.memory_space<vmem>>
        %dma_start3A_13 = tpu.memref_squeeze %dma_start3A_12 : memref<1x80xi32, #tpu.memory_space<vmem>> -> memref<80xi32, #tpu.memory_space<vmem>>
        %dma_start3A_14 = arith.constant 0 : i32
        %dma_start3A_15 = arith.constant 0 : i32
        %dma_start3A_16 = tpu.memref_slice %arg2[%dma_start3A_14, %dma_start3A_15] : memref<10000x64xf32, #tpu.memory_space<hbm>> -> memref<10000x64xf32, #tpu.memory_space<hbm>>
        tpu.enqueue_indirect_dma source(%dma_start3A_16 : memref<10000x64xf32, #tpu.memory_space<hbm>>) target(%arg9 : memref<80x64xf32, #tpu.memory_space<vmem>>) offsets(%dma_start3A_13 : memref<80xi32, #tpu.memory_space<vmem>>) semaphore(%run_scoped3A : memref<!tpu.dma_semaphore, #tpu.memory_space<semaphore_mem>>)
        %dma_wait3A = arith.constant 0 : i32
        %dma_wait3A_17 = tpu.memref_slice %arg7[%scan3A_8, %dma_wait3A] : memref<125x80xi32, #tpu.memory_space<vmem>> -> memref<1x80xi32, #tpu.memory_space<vmem>>
        %dma_wait3A_18 = tpu.memref_squeeze %dma_wait3A_17 : memref<1x80xi32, #tpu.memory_space<vmem>> -> memref<80xi32, #tpu.memory_space<vmem>>
        %dma_wait3A_19 = arith.constant 0 : i32
        %dma_wait3A_20 = arith.constant 0 : i32
        %dma_wait3A_21 = tpu.memref_slice %arg2[%dma_wait3A_19, %dma_wait3A_20] : memref<10000x64xf32, #tpu.memory_space<hbm>> -> memref<10000x64xf32, #tpu.memory_space<hbm>>
        tpu.wait_indirect_dma semaphore(%run_scoped3A : memref<!tpu.dma_semaphore, #tpu.memory_space<semaphore_mem>>) src(%dma_wait3A_21 : memref<10000x64xf32, #tpu.memory_space<hbm>>) dst(%arg9 : memref<80x64xf32, #tpu.memory_space<vmem>>)
        tpu.yield
      }) : () -> ()
      "tpu.region"() ({
        %run_scoped3A = tpu.sem_alloc : memref<!tpu.dma_semaphore, #tpu.memory_space<semaphore_mem>>
        %dma_start3A = arith.constant 0 : i32
        %dma_start3A_12 = tpu.memref_slice %arg8[%scan3A_8, %dma_start3A] : memref<125x80xi32, #tpu.memory_space<vmem>> -> memref<1x80xi32, #tpu.memory_space<vmem>>
        %dma_start3A_13 = tpu.memref_squeeze %dma_start3A_12 : memref<1x80xi32, #tpu.memory_space<vmem>> -> memref<80xi32, #tpu.memory_space<vmem>>
        %dma_start3A_14 = arith.constant 0 : i32
        %dma_start3A_15 = arith.constant 0 : i32
        %dma_start3A_16 = tpu.memref_slice %arg3[%dma_start3A_14, %dma_start3A_15] : memref<10000x64xf32, #tpu.memory_space<hbm>> -> memref<10000x64xf32, #tpu.memory_space<hbm>>
        tpu.enqueue_indirect_dma source(%dma_start3A_16 : memref<10000x64xf32, #tpu.memory_space<hbm>>) target(%arg9 : memref<80x64xf32, #tpu.memory_space<vmem>>) offsets(%dma_start3A_13 : memref<80xi32, #tpu.memory_space<vmem>>) semaphore(%run_scoped3A : memref<!tpu.dma_semaphore, #tpu.memory_space<semaphore_mem>>) {add = true}
        %dma_wait3A = arith.constant 0 : i32
        %dma_wait3A_17 = tpu.memref_slice %arg8[%scan3A_8, %dma_wait3A] : memref<125x80xi32, #tpu.memory_space<vmem>> -> memref<1x80xi32, #tpu.memory_space<vmem>>
        %dma_wait3A_18 = tpu.memref_squeeze %dma_wait3A_17 : memref<1x80xi32, #tpu.memory_space<vmem>> -> memref<80xi32, #tpu.memory_space<vmem>>
        %dma_wait3A_19 = arith.constant 0 : i32
        %dma_wait3A_20 = arith.constant 0 : i32
        %dma_wait3A_21 = tpu.memref_slice %arg3[%dma_wait3A_19, %dma_wait3A_20] : memref<10000x64xf32, #tpu.memory_space<hbm>> -> memref<10000x64xf32, #tpu.memory_space<hbm>>
        tpu.wait_indirect_dma semaphore(%run_scoped3A : memref<!tpu.dma_semaphore, #tpu.memory_space<semaphore_mem>>) src(%dma_wait3A_21 : memref<10000x64xf32, #tpu.memory_space<hbm>>) dst(%arg9 : memref<80x64xf32, #tpu.memory_space<vmem>>)
        tpu.yield
      }) : () -> ()
      %mul3A_9 = arith.constant 80 : i32
      %mul3A_10 = arith.muli %scan3A_8, %mul3A_9 : i32
      %add3A_11 = arith.addi %mul3A_2, %mul3A_10 : i32
      "tpu.region"() ({
        %run_scoped3A = tpu.sem_alloc : memref<!tpu.dma_semaphore, #tpu.memory_space<semaphore_mem>>
        %dma_start3A = arith.constant 0 : i32
        %dma_start3A_12 = tpu.memref_slice %arg6[%add3A_11, %dma_start3A] : memref<320000x64xf32, #tpu.memory_space<hbm>> -> memref<80x64xf32, #tpu.memory_space<hbm>>
        %dma_start3A_13 = arith.constant 0 : i32
        %dma_start3A_14 = tpu.memref_slice %arg6[%add3A_11, %dma_start3A_13] : memref<320000x64xf32, #tpu.memory_space<hbm>> -> memref<80x64xf32, #tpu.memory_space<hbm>>
        tpu.enqueue_dma source(%arg9 : memref<80x64xf32, #tpu.memory_space<vmem>>) target(%dma_start3A_14 : memref<80x64xf32, #tpu.memory_space<hbm>>) target_semaphore(%run_scoped3A : memref<!tpu.dma_semaphore, #tpu.memory_space<semaphore_mem>>)
        %dma_wait3A = arith.constant 0 : i32
        %dma_wait3A_15 = tpu.memref_slice %arg6[%add3A_11, %dma_wait3A] : memref<320000x64xf32, #tpu.memory_space<hbm>> -> memref<80x64xf32, #tpu.memory_space<hbm>>
        %dma_wait3A_16 = arith.constant 0 : i32
        %dma_wait3A_17 = tpu.memref_slice %arg6[%add3A_11, %dma_wait3A_16] : memref<320000x64xf32, #tpu.memory_space<hbm>> -> memref<80x64xf32, #tpu.memory_space<hbm>>
        tpu.wait_dma2 semaphore(%run_scoped3A : memref<!tpu.dma_semaphore, #tpu.memory_space<semaphore_mem>>) src(%arg9 : memref<80x64xf32, #tpu.memory_space<vmem>>) dst(%dma_wait3A_17 : memref<80x64xf32, #tpu.memory_space<hbm>>)
        tpu.yield
      }) : () -> ()
    }
    %scan3A_7 = arith.constant 125 : i32
    return
  }
}

module attributes {stable_mosaic.version = 14 : i64} {
  func.func @body(%arg0: i32, %arg1: memref<1000x128xf32, #tpu.memory_space<vmem>>, %arg2: memref<128x64xf32, #tpu.memory_space<vmem>>, %arg3: memref<128x64xf32, #tpu.memory_space<vmem>>, %arg4: memref<1000x64xf32, #tpu.memory_space<vmem>>, %arg5: memref<1000x64xf32, #tpu.memory_space<vmem>>) attributes {dimension_semantics = [#tpu.dimension_semantics<arbitrary>], iteration_bounds = array<i64: 10>, scalar_prefetch = 0 : i64, scratch_operands = 0 : i64, tpu.core_type = #tpu.core_type<tc>, window_params = [{transform_indices = @transform_0, window_bounds = array<i64: 1000, 128>}, {pipeline_mode = #tpu.pipeline_mode<synchronous>, transform_indices = @transform_1, window_bounds = array<i64: 128, 64>}, {pipeline_mode = #tpu.pipeline_mode<synchronous>, transform_indices = @transform_2, window_bounds = array<i64: 128, 64>}, {transform_indices = @transform_3, window_bounds = array<i64: 1000, 64>}, {transform_indices = @transform_4, window_bounds = array<i64: 1000, 64>}]} {
    %get3A = arith.constant 0 : index
    %get3A_0 = arith.constant 0 : index
    %get3A_1 = vector.load %arg1[%get3A, %get3A_0] : memref<1000x128xf32, #tpu.memory_space<vmem>>, vector<1000x128xf32>
    %get3A_2 = arith.constant 0 : index
    %get3A_3 = arith.constant 0 : index
    %get3A_4 = vector.load %arg2[%get3A_2, %get3A_3] : memref<128x64xf32, #tpu.memory_space<vmem>>, vector<128x64xf32>
    %dot_general3A = arith.constant dense<0.000000e+00> : vector<1000x64xf32>
    %dot_general3A_5 = tpu.matmul %get3A_1, %get3A_4, %dot_general3A {dimension_numbers = #tpu.dot_dimension_numbers<[1], [0], [0], [1], [0, 0, 1, 1], [], []>, transpose_lhs_hint = false} : vector<1000x128xf32>, vector<128x64xf32>, vector<1000x64xf32> -> vector<1000x64xf32>
    %swap3A = arith.constant 0 : index
    %swap3A_6 = arith.constant 0 : index
    %swap3A_7 = vector.load %arg4[%swap3A, %swap3A_6] : memref<1000x64xf32, #tpu.memory_space<vmem>>, vector<1000x64xf32>
    tpu.vector_store %arg4[%swap3A, %swap3A_6], %dot_general3A_5 {strides = array<i32>} : memref<1000x64xf32, #tpu.memory_space<vmem>>, vector<1000x64xf32>,
    %get3A_8 = arith.constant 0 : index
    %get3A_9 = arith.constant 0 : index
    %get3A_10 = vector.load %arg3[%get3A_8, %get3A_9] : memref<128x64xf32, #tpu.memory_space<vmem>>, vector<128x64xf32>
    %dot_general3A_11 = arith.constant dense<0.000000e+00> : vector<1000x64xf32>
    %dot_general3A_12 = tpu.matmul %get3A_1, %get3A_10, %dot_general3A_11 {dimension_numbers = #tpu.dot_dimension_numbers<[1], [0], [0], [1], [0, 0, 1, 1], [], []>, transpose_lhs_hint = false} : vector<1000x128xf32>, vector<128x64xf32>, vector<1000x64xf32> -> vector<1000x64xf32>
    %swap3A_13 = arith.constant 0 : index
    %swap3A_14 = arith.constant 0 : index
    %swap3A_15 = vector.load %arg5[%swap3A_13, %swap3A_14] : memref<1000x64xf32, #tpu.memory_space<vmem>>, vector<1000x64xf32>
    tpu.vector_store %arg5[%swap3A_13, %swap3A_14], %dot_general3A_12 {strides = array<i32>} : memref<1000x64xf32, #tpu.memory_space<vmem>>, vector<1000x64xf32>,
    return
  }
  func.func @transform_0(%arg0: i32) -> (i32, i32) {
    %c0_i32 = arith.constant 0 : i32
    %c0_i32_0 = arith.constant 0 : i32
    return %arg0, %c0_i32 : i32, i32
  }
  func.func @transform_1(%arg0: i32) -> (i32, i32) {
    %c0_i32 = arith.constant 0 : i32
    %c0_i32_0 = arith.constant 0 : i32
    %c0_i32_1 = arith.constant 0 : i32
    return %c0_i32, %c0_i32_0 : i32, i32
  }
  func.func @transform_2(%arg0: i32) -> (i32, i32) {
    %c0_i32 = arith.constant 0 : i32
    %c0_i32_0 = arith.constant 0 : i32
    %c0_i32_1 = arith.constant 0 : i32
    return %c0_i32, %c0_i32_0 : i32, i32
  }
  func.func @transform_3(%arg0: i32) -> (i32, i32) {
    %c0_i32 = arith.constant 0 : i32
    %c0_i32_0 = arith.constant 0 : i32
    return %arg0, %c0_i32 : i32, i32
  }
  func.func @transform_4(%arg0: i32) -> (i32, i32) {
    %c0_i32 = arith.constant 0 : i32
    %c0_i32_0 = arith.constant 0 : i32
    return %arg0, %c0_i32 : i32, i32
  }
}

module attributes {stable_mosaic.version = 14 : i64} {
  func.func @body(%arg0: i32, %arg1: memref<5000x64xf32, #tpu.memory_space<vmem>>, %arg2: memref<5000x16xf32, #tpu.memory_space<vmem>>, %arg3: memref<16x64xf32, #tpu.memory_space<vmem>>, %arg4: memref<8x64xf32, #tpu.memory_space<vmem>>, %arg5: memref<64x2xf32, #tpu.memory_space<vmem>>, %arg6: memref<8x2xf32, #tpu.memory_space<vmem>>, %arg7: memref<5000x2xf32, #tpu.memory_space<vmem>>) attributes {dimension_semantics = [#tpu.dimension_semantics<arbitrary>], iteration_bounds = array<i64: 64>, scalar_prefetch = 0 : i64, scratch_operands = 0 : i64, tpu.core_type = #tpu.core_type<tc>, window_params = [{transform_indices = @transform_0, window_bounds = array<i64: 5000, 64>}, {transform_indices = @transform_1, window_bounds = array<i64: 5000, 16>}, {pipeline_mode = #tpu.pipeline_mode<synchronous>, transform_indices = @transform_2, window_bounds = array<i64: 16, 64>}, {pipeline_mode = #tpu.pipeline_mode<synchronous>, transform_indices = @transform_3, window_bounds = array<i64: 8, 64>}, {pipeline_mode = #tpu.pipeline_mode<synchronous>, transform_indices = @transform_4, window_bounds = array<i64: 64, 2>}, {pipeline_mode = #tpu.pipeline_mode<synchronous>, transform_indices = @transform_5, window_bounds = array<i64: 8, 2>}, {transform_indices = @transform_6, window_bounds = array<i64: 5000, 2>}]} {
    %get3A = arith.constant 0 : index
    %get3A_0 = arith.constant 0 : index
    %get3A_1 = vector.load %arg1[%get3A, %get3A_0] : memref<5000x64xf32, #tpu.memory_space<vmem>>, vector<5000x64xf32>
    %get3A_2 = arith.constant 0 : index
    %get3A_3 = arith.constant 0 : index
    %get3A_4 = vector.load %arg2[%get3A_2, %get3A_3] : memref<5000x16xf32, #tpu.memory_space<vmem>>, vector<5000x16xf32>
    %get3A_5 = arith.constant 0 : index
    %get3A_6 = arith.constant 0 : index
    %get3A_7 = vector.load %arg3[%get3A_5, %get3A_6] : memref<16x64xf32, #tpu.memory_space<vmem>>, vector<16x64xf32>
    %dot_general3A = arith.constant dense<0.000000e+00> : vector<5000x64xf32>
    %dot_general3A_8 = tpu.matmul %get3A_4, %get3A_7, %dot_general3A {dimension_numbers = #tpu.dot_dimension_numbers<[1], [0], [0], [1], [0, 0, 1, 1], [], []>, transpose_lhs_hint = false} : vector<5000x16xf32>, vector<16x64xf32>, vector<5000x64xf32> -> vector<5000x64xf32>
    %add3A = arith.addf %get3A_1, %dot_general3A_8 : vector<5000x64xf32>
    %get3A_9 = arith.constant 0 : index
    %get3A_10 = arith.constant 0 : index
    %get3A_11 = vector.load %arg4[%get3A_9, %get3A_10] : memref<8x64xf32, #tpu.memory_space<vmem>>, vector<1x64xf32>
    %add3A_12 = vector.broadcast %get3A_11 : vector<1x64xf32> to vector<5000x64xf32>
    %add3A_13 = arith.addf %add3A, %add3A_12 : vector<5000x64xf32>
    %max3A = arith.constant 0.000000e+00 : f32
    %max3A_14 = vector.broadcast %max3A : f32 to vector<5000x64xf32>
    %max3A_15 = arith.maximumf %add3A_13, %max3A_14 : vector<5000x64xf32>
    %get3A_16 = arith.constant 0 : index
    %get3A_17 = arith.constant 0 : index
    %get3A_18 = vector.load %arg5[%get3A_16, %get3A_17] : memref<64x2xf32, #tpu.memory_space<vmem>>, vector<64x2xf32>
    %dot_general3A_19 = arith.constant dense<0.000000e+00> : vector<5000x2xf32>
    %dot_general3A_20 = tpu.matmul %max3A_15, %get3A_18, %dot_general3A_19 {dimension_numbers = #tpu.dot_dimension_numbers<[1], [0], [0], [1], [0, 0, 1, 1], [], []>, transpose_lhs_hint = false} : vector<5000x64xf32>, vector<64x2xf32>, vector<5000x2xf32> -> vector<5000x2xf32>
    %get3A_21 = arith.constant 0 : index
    %get3A_22 = arith.constant 0 : index
    %get3A_23 = vector.load %arg6[%get3A_21, %get3A_22] : memref<8x2xf32, #tpu.memory_space<vmem>>, vector<1x2xf32>
    %add3A_24 = vector.broadcast %get3A_23 : vector<1x2xf32> to vector<5000x2xf32>
    %add3A_25 = arith.addf %dot_general3A_20, %add3A_24 : vector<5000x2xf32>
    %swap3A = arith.constant 0 : index
    %swap3A_26 = arith.constant 0 : index
    %swap3A_27 = vector.load %arg7[%swap3A, %swap3A_26] : memref<5000x2xf32, #tpu.memory_space<vmem>>, vector<5000x2xf32>
    tpu.vector_store %arg7[%swap3A, %swap3A_26], %add3A_25 {strides = array<i32>} : memref<5000x2xf32, #tpu.memory_space<vmem>>, vector<5000x2xf32>,
    return
  }
  func.func @transform_0(%arg0: i32) -> (i32, i32) {
    %c0_i32 = arith.constant 0 : i32
    %c0_i32_0 = arith.constant 0 : i32
    return %arg0, %c0_i32 : i32, i32
  }
  func.func @transform_1(%arg0: i32) -> (i32, i32) {
    %c0_i32 = arith.constant 0 : i32
    %c0_i32_0 = arith.constant 0 : i32
    return %arg0, %c0_i32 : i32, i32
  }
  func.func @transform_2(%arg0: i32) -> (i32, i32) {
    %c0_i32 = arith.constant 0 : i32
    %c0_i32_0 = arith.constant 0 : i32
    %c0_i32_1 = arith.constant 0 : i32
    return %c0_i32, %c0_i32_0 : i32, i32
  }
  func.func @transform_3(%arg0: i32) -> (i32, i32) {
    %c0_i32 = arith.constant 0 : i32
    %c0_i32_0 = arith.constant 0 : i32
    %c0_i32_1 = arith.constant 0 : i32
    return %c0_i32, %c0_i32_0 : i32, i32
  }
  func.func @transform_4(%arg0: i32) -> (i32, i32) {
    %c0_i32 = arith.constant 0 : i32
    %c0_i32_0 = arith.constant 0 : i32
    %c0_i32_1 = arith.constant 0 : i32
    return %c0_i32, %c0_i32_0 : i32, i32
  }
  func.func @transform_5(%arg0: i32) -> (i32, i32) {
    %c0_i32 = arith.constant 0 : i32
    %c0_i32_0 = arith.constant 0 : i32
    %c0_i32_1 = arith.constant 0 : i32
    return %c0_i32, %c0_i32_0 : i32, i32
  }
  func.func @transform_6(%arg0: i32) -> (i32, i32) {
    %c0_i32 = arith.constant 0 : i32
    %c0_i32_0 = arith.constant 0 : i32
    return %arg0, %c0_i32 : i32, i32
  }
}

</mosaic_0001>

<sc_bundles>
// kernel: kernel.5.cloned.1.call-start
scs
__scs_entry_jumppad:
0x0: {  	(pc) =	sbr.rel $0x88, $3  }
0x1: {  	(tag) =	ssettag $0x0;
	lr =	simm.s32 $0x1  }
0x2: {  	[smem:$0x3F9A] =	sst lr;
	_ =	strace $0xD0000000  }
0x3: {  	_ = 	snop  }
0x4: {  	_ = 	snop  }
0x5: {  	_ = 	snop  }
0x6: {  	_ = 	snop  }
0x7: {  	_ = 	snop  }
__scs_overlays_trampoline_lowered:
0x8: {  	[smem:$0x3FA9] =	sst s0  }
0x9: {  	[smem:$0x3FAA] =	sst s1  }
0xa: {  	[smem:$0x3FAB] =	sst s2  }
0xb: {  	[smem:$0x3FAC] =	sst s3  }
0xc: {  	[smem:$0x3FAD] =	sst s4  }
0xd: {  	[smem:$0x3FAE] =	sst s5  }
0xe: {  	[smem:$0x3FAF] =	sst s6  }
0xf: {  	[smem:$0x3FB0] =	sst s7  }
0x10: {  	[smem:$0x3FB1] =	sst s8  }
0x11: {  	[smem:$0x3FB2] =	sst s9;
	s0 =	simm.s32 @!p0 $0x0  }
0x12: {  	s1 =	sld [smem:$0x3F98];
	s0 =	simm.s32 @p0 $0x1  }
0x13: {  	[smem:$0x3FB3] =	sst s0;
	s0 =	simm.s32 @!p1 $0x0  }
0x14: {  	s2 =	sld [smem:$0x3F97];
	s0 =	simm.s32 @p1 $0x1  }
0x15: {  	[smem:$0x3FB4] =	sst s0;
	s0 =	simm.s32 @!p2 $0x0  }
0x16: {  	s3 =	sld [smem:$0x3FDB];
	s0 =	simm.s32 @p2 $0x1  }
0x17: {  	s4 =	simm.s32 $0x1BF5;
	[smem:$0x3FB6] =	sst s0  }
0x18: {  	s0 =	sld [smem:$0x3F99];
	_ =	swait.ge [sflag:s4], $0x0  }
0x19: {  	s7 =	sld [smem:$0x3F9A]  }
0x1a: {  	s8 =	sadd.s32 $0xFFFFE003, lr  }
0x1b: {  	s9 =	sadd.s32 $0xFFFFFEF7, lr;
	s5 =	simm.s32 $0xFFFFFFFF;
	p2 =	slt.u32 s8, $0xFFFFF086  }
0x1c: {  	p1 =	slt.u32 s9, $0xF7A;
	s5 =	simm.s32 @!p2 $0x0  }
0x1d: {  	s5 =	simm.s32 @p1 $0x1;
	p0 =	seq.s32 s7, s2  }
0x1e: {  	s7 =	smul.u32 @!p0 $0xF7A, s2;
	p2 =	seq.s32 @!p0 s5, $0x0  }
0x1f: {  	s9 =	smul.u32 $0xF7A, s1;
	s8 =	simm.s32 @!p0 $0x1BF5;
	p2 =	por !p2, p0  }
0x20: {  	[sflag:s8] =	ssyncset.s32 @!p0 $0xFFFFF086;
	s6 =	sadd.s32 @!p0 s3, s7;
	s7 =	simm.s32 @!p0 $0x108  }
0x21: {  	s3 =	sadd.s32 s3, s9;
	s6 =	sadd.s32 @!p0 $0x88, s6;
	s7 =	simm.s32 @p2 $0x1082  }
0x22: {  	[simem:s7], [sflag:s8] =	dma.local @!p0 [hbm:s6], $0xF7A  }
0x23: {  	s9 =	sor.u32 $0xD0000000, s2;
	s6 =	simm.s32 $0x108;
	_ =	swait.ge @!p0 [sflag:s8], $0x0  }
0x24: {  	s3 =	sadd.s32 $0x88, s3;
	s6 =	simm.s32 @!p1 $0x1082;
	[sflag:s4] =	ssyncset.s32 $0xFFFFF086  }
0x25: {  	[simem:s6], [sflag:s4] =	dma.local [hbm:s3], $0xF7A  }
0x26: {  	[smem:$0x3F9A] =	sst s1;
	(tag) =	ssettag s2;
	_ =	strace s9  }
0x27: {  	s1 =	sld [smem:$0x3FAA]  }
0x28: {  	s2 =	sld [smem:$0x3FAB]  }
0x29: {  	s4 =	sld [smem:$0x3FAD]  }
0x2a: {  	p0 =	seq.s32 s5, $0x0;
	s5 =	sld [smem:$0x3FAE]  }
0x2b: {  	s6 =	sld [smem:$0x3FAF]  }
0x2c: {  	s7 =	sld [smem:$0x3FB0]  }
0x2d: {  	s3 =	simm.s32 $0x108;
	s8 =	sld [smem:$0x3FB1]  }
0x2e: {  	s3 =	simm.s32 @!p0 $0x1082;
	s9 =	sld [smem:$0x3FB2]  }
0x2f: {  	lr =	sadd.s32 s0, s3;
	s0 =	sld [smem:$0x3FA9]  }
0x30: {  	s3 =	sld [smem:$0x3FAC]  }
0x31: {  	[smem:$0x3FB5] =	sst s10  }
0x32: {  	s10 =	sld [smem:$0x3FB3];
	_ =	sdelay $0x3  }
0x33: {  	p0 =	seq.s32 s10, $0x1;
	s10 =	sld [smem:$0x3FB5];
	_ =	sdelay $0x3  }
0x34: {  	[smem:$0x3FB5] =	sst s10  }
0x35: {  	s10 =	sld [smem:$0x3FB4];
	_ =	sdelay $0x3  }
0x36: {  	p1 =	seq.s32 s10, $0x1;
	s10 =	sld [smem:$0x3FB5];
	_ =	sdelay $0x3  }
0x37: {  	[smem:$0x3FB5] =	sst s10  }
0x38: {  	s10 =	sld [smem:$0x3FB6]  }
0x39: {  	_ = 	snop;
	(pc) =	sbr.ind lr, $3  }
0x3a: {  	_ = 	snop  }
0x3b: {  	_ = 	snop  }
0x3c: {  	p2 =	seq.s32 s10, $0x1;
	s10 =	sld [smem:$0x3FB5]  }
0x3d: {  	_ =	shalt  }
0x3e: {  	_ =	shalt  }
0x3f: {  	_ =	shalt  }
0x40: {  	_ =	shalt  }
0x41: {  	_ =	shalt  }
0x42: {  	_ =	shalt  }
0x43: {  	_ =	shalt  }
0x44: {  	_ =	shalt  }
0x45: {  	_ =	shalt  }
0x46: {  	_ =	shalt  }
0x47: {  	_ =	shalt  }
0x48: {  	_ =	shalt  }
0x49: {  	_ =	shalt  }
0x4a: {  	_ =	shalt  }
0x4b: {  	_ =	shalt  }
0x4c: {  	_ =	shalt  }
0x4d: {  	_ =	shalt  }
0x4e: {  	_ =	shalt  }
0x4f: {  	_ =	shalt  }
0x50: {  	_ =	shalt  }
0x51: {  	_ =	shalt  }
0x52: {  	_ =	shalt  }
0x53: {  	_ =	shalt  }
0x54: {  	_ =	shalt  }
0x55: {  	_ =	shalt  }
0x56: {  	_ =	shalt  }
0x57: {  	_ =	shalt  }
0x58: {  	_ =	shalt  }
0x59: {  	_ =	shalt  }
0x5a: {  	_ =	shalt  }
0x5b: {  	_ =	shalt  }
0x5c: {  	_ =	shalt  }
0x5d: {  	_ =	shalt  }
0x5e: {  	_ =	shalt  }
0x5f: {  	_ =	shalt  }
0x60: {  	_ =	shalt  }
0x61: {  	_ =	shalt  }
0x62: {  	_ =	shalt  }
0x63: {  	_ =	shalt  }
0x64: {  	_ =	shalt  }
0x65: {  	_ =	shalt  }
0x66: {  	_ =	shalt  }
0x67: {  	_ =	shalt  }
0x68: {  	_ =	shalt  }
0x69: {  	_ =	shalt  }
0x6a: {  	_ =	shalt  }
0x6b: {  	_ =	shalt  }
0x6c: {  	_ =	shalt  }
0x6d: {  	_ =	shalt  }
0x6e: {  	_ =	shalt  }
0x6f: {  	_ =	shalt  }
0x70: {  	_ =	shalt  }
0x71: {  	_ =	shalt  }
0x72: {  	_ =	shalt  }
0x73: {  	_ =	shalt  }
0x74: {  	_ =	shalt  }
0x75: {  	_ =	shalt  }
0x76: {  	_ =	shalt  }
0x77: {  	_ =	shalt  }
0x78: {  	_ =	shalt  }
0x79: {  	_ =	shalt  }
0x7a: {  	_ =	shalt  }
0x7b: {  	_ =	shalt  }
0x7c: {  	_ =	shalt  }
0x7d: {  	_ =	shalt  }
0x7e: {  	_ =	shalt  }
0x7f: {  	_ =	shalt  }
0x80: {  	_ =	shalt  }
0x81: {  	_ =	shalt  }
0x82: {  	_ =	shalt  }
0x83: {  	_ =	shalt  }
0x84: {  	_ =	shalt  }
0x85: {  	_ =	shalt  }
0x86: {  	_ =	shalt  }
0x87: {  	_ =	shalt  }
.Lfunc_end0:
.L_simem_size_0:
called_computation_lowered:
.L_overlay_start_0:
0x88: {  	s2 =	sld [smem:$0x3FD9]  }
0x89: {  	s3 =	sld [smem:$0x3FFE];
	_ =	sdelay $0x1  }
0x8a: {  	s1 =	srdreg.scid  }
0x8b: {  	s0 =	sand.u32 $0x1, s1  }
0x8c: {  	s17 =	sshll.u32 s0, $0xA;
	s2 =	sadd.s32 s3, s2  }
0x8d: {  	s2 =	sadd.s32 s2, s17  }
0x8e: {  	[smem:$0x3FC1] =	sst s2  }
0x8f: {  	_ = 	snop  }
0x90: {  	s2 =	sld [smem:$0x3FD0];
	(tm) =	ssettm $0x1  }
0x91: {  	s18 =	sld [smem:$0x3FFB];
	_ =	sdelay $0x3  }
0x92: {  	_ =	strace s18  }
0x93: {  	s3 =	sld [smem:$0x3FFC];
	_ =	sdelay $0x3  }
0x94: {  	_ =	strace s3  }
0x95: {  	s3 =	sld [smem:$0x3FFD];
	_ =	sdelay $0x3  }
0x96: {  	_ =	strace s3  }
0x97: {  	_ =	strace $0x8FFFFFFF  }
0x98: {  	s19 =	sld [smem:$0x3FDB];
	_ =	sdelay $0x1  }
0x99: {  	s4 =	simm.s32 $_scs_section_size  }
0x9a: {  	s5 =	simm.s32 $_size__tile_overlayer_lowered;
	s6 =	simm.s32 $_tile_overlayer_lowered  }
0x9b: {  	s22 =	simm.s32 $0x1BFF;
	s21 =	sshll.u32 s6, $0x1;
	s3 =	sadd.s32 s4, s19  }
0x9c: {  	s7 =	simm.s32 $0x0;
	s20 =	sshll.u32 s5, $0x1;
	s5 =	sadd.s32 s21, s3  }
0x9d: {  	[timem:s7], [sflag:s22] =	dma.local [hbm:s5], s20  }
0x9e: {  	_ =	swait.ge [sflag:s22], s20  }
0x9f: {  	s4 =	ssub.s32 $0x0, s20;
	[sflag:s22] =	ssyncset.done $0x0  }
0xa0: {  	[sflag:s22] =	ssyncadd.s32 s4;
	_ =	sdelay $0x1  }
0xa1: {  	s23 =	simm.s32 $0x1B8B  }
0xa2: {  	_ =	swait.ge [sflag:s23], $0x1  }
0xa3: {  	[sflag:s23] =	ssyncset.done $0x0  }
0xa4: {  	s25 =	simm.s32 $0x1B8E;
	s24 =	sld [smem:$0x3FFE];
	[sflag:s23] =	ssyncadd.s32 $0xFFFFFFFF  }
0xa5: {  	s26 =	simm.s32 $execute0_lowered;
	[smem:$0x3FD2] =	sst s25  }
0xa6: {  	s5 =	sshll.u32 s26, $0x1;
	_ =	strace $0x80000046;
	[dreg:$0x1] =	wrdreg $0xFFFFFFFF  }
0xa7: {  	s28 =	simm.s32 $_size_execute0_lowered;
	s3 =	sadd.s32 s3, s5;
	[dreg:$0x0] =	wrdreg $0x0  }
0xa8: {  	s5 =	sshll.u32 s28, $0x1;
	[dreg:$0x2] =	wrdreg s3  }
0xa9: {  	[dreg:$0x3] =	wrdreg s5  }
0xaa: {  	[dreg:$0x4] =	wrdreg $0xC0  }
0xab: {  	_ =	task [dreg:s7], $0x5FFFF  }
0xac: {  	[dreg:$0x1] =	wrdreg $0xFFFFFFFF  }
0xad: {  	[dreg:$0x0] =	wrdreg $0x60  }
0xae: {  	[dreg:$0x2] =	wrdreg s2  }
0xaf: {  	[dreg:$0x3] =	wrdreg s24  }
0xb0: {  	[dreg:$0x4] =	wrdreg $0x9  }
0xb1: {  	_ =	task.clear_ibuf [dreg:s7], $0x5FFFF;
	_ =	strace $0x90000046  }
0xb2: {  	s29 =	simm.s32 $0x9;
	_ =	strace $0x80000048  }
0xb3: {  	_ =	swait.ge [sflag:s29], $0x1  }
0xb4: {  	[sflag:s29] =	ssyncadd.s32 $0xFFFFFFFF  }
0xb5: {  	_ =	strace $0x90000048  }
0xb6: {  	_ =	sfence  }
0xb7: {  	s30 =	sld [smem:$0x0];
	_ =	sdelay $0x2  }
0xb8: {  	s31 =	sshll.u32 s1, $0xD;
	s1 =	sshrl.u32 s1, $0x2  }
0xb9: {  	s3 =	sand.u32 $0x4000, s31;
	s1 =	sadd.s32 s1, s30  }
0xba: {  	s0 =	sor.u32 s3, s0;
	s1 =	sshll.u32 s1, $0x11  }
0xbb: {  	s0 =	sor.u32 s1, s0  }
0xbc: {  	s0 =	sadd.s32 $0x8F2B, s0  }
0xbd: {  	[sflag:s0] =	ssyncadd.remote.s32 $0x1  }
0xbe: {  	_ =	sfence.sel $0xFFFF  }
0xbf: {  	[dreg:$0x0] =	wrdreg $0xFFFFFFFF;
	(pc) =	sbr.abs _section_cstart, $3  }
0xc0: {  	[dreg:$0x1] =	wrdreg $0xFFFFFFFF  }
0xc1: {  	_ =	task.clear_ibuf [dreg:s7], $0x2FFFF;
	_ =	strace $0x9FFFFFFF  }
0xc2: {  	(tm) =	ssettm $0x7FFFFFFF  }
0xc3: {  	_ =	shalt  }
tec
execute0_lowered:
.L_overlay_start_1:
0x0: {  	(tag) =	ssettag $0x1  }
0x1: {  	s2 =	rddreg [dreg:$0x0];
	s1 =	srdreg.scid  }
0x2: {  	s0 =	stileid.u32;
	s5 =	rddreg [dreg:$0x1]  }
0x3: {  	s3 =	simm.s32 $0x0;
	s12 =	simm.s32 $0x4E20;
	s13 =	simm.s32 $0x0  }
0x4: {  	s6 =	sand.u32 $0x1, s1;
	s4 =	sshll.u32 s0, $0x1;
	s1 =	rddreg [dreg:$0x2]  }
0x5: {  	[smem:$0x7FF] =	sst s3;
	s8 =	smul.u32 $0x27100, s0;
	s4 =	sor.u32 s6, s4  }
0x6: {  	_ =	strace $0x80000047;
	s9 =	ssub.s32 $0x2, s6;
	s7 =	smul.u32 $0x2710, s4  }
0x7: {  	s11 =	smul.u32 $0x13880, s6;
	s4 =	sadd.s32 $0x15C00, s5;
	s10 =	sshrl.u32 s9, $0x1  }
0x8: {  	s8 =	sadd.s32 s8, s5;
	s9 =	ssub.s32 s9, s10;
	s7 =	sshrl.u32 s7, $0x3  }
0x9: {  	s8 =	sadd.s32 s11, s8;
	s10 =	simm.s32 $0x2710;
	s7 =	sadd.s32 s7, s5  }
0xa: {  	s11 =	simm.s32 $0x50;
	s8 =	sadd.s32 $0x29600, s8;
	s5 =	sadd.s32 $0xBE00, s7  }
0xb: {  	s6 =	sadd.s32 $0x2000, s7;
	s7 =	smax.u32 s9, $0x1;
	s9 =	simm.s32 $0x1  }
.LBB2_1:
0xc: {  	[tilespmem:s3], [sflag:$0x1] =	stream.linear.gather [hbm4b:s5+s3], $0x2710, $0x38;
	[tilespmem:$0x6220] =	vst v63  }
0xd: {  	_ =	swait.ge [sflag:s9], $0x2710  }
0xe: {  	[sflag:s9] =	ssyncset.done $0x0  }
0xf: {  	[sflag:s9] =	ssyncadd.s32 $0xFFFFD8F0  }
0x10: {  	[tilespmem:s10], [sflag:$0x1] =	stream.linear.gather [hbm4b:s6+s3], $0x2710, $0x38;
	[tilespmem:$0x6220] =	vst v63  }
0x11: {  	_ =	swait.ge [sflag:s9], $0x2710  }
0x12: {  	[sflag:s9] =	ssyncset.done $0x0  }
0x13: {  	s14 =	simm.s32 $0x0;
	[sflag:s9] =	ssyncadd.s32 $0xFFFFD8F0  }
0x14: {  	[tilespmem:s12], [sflag:$0x1] =	stream.indirect.gather [hbm4b:s2+s11], $0x40, s14, s11, $0xb8;
	[tilespmem:$0x6220] =	vst v63  }
0x15: {  	_ =	swait.ge [sflag:s9], $0x1400  }
0x16: {  	[sflag:s9] =	ssyncset.done $0x0  }
0x17: {  	s31 =	simm.s32 $0x2710;
	[sflag:s9] =	ssyncadd.s32 $0xFFFFEC00  }
0x18: {  	[tilespmem:s12], [sflag:$0x1] =	stream.indirect.gather.add.f32 [hbm:s4], $0x40, s31, s11, $0xb8;
	[tilespmem:$0x6220] =	vst v63  }
0x19: {  	_ =	swait.ge [sflag:s9], $0x1400  }
0x1a: {  	[sflag:s9] =	ssyncset.done $0x0  }
0x1b: {  	[sflag:s9] =	ssyncadd.s32 $0xFFFFEC00  }
0x1c: {  	[hbm4b:s8+s3] =	stream.linear.scatter [tilespmem:s12], [sflag:$0x1], $0x1400, $0x38;
	[tilespmem:$0x6220] =	vst v63  }
0x1d: {  	s15 =	simm.s32 $0x140;
	_ =	swait.ge [sflag:s9], $0x1400  }
0x1e: {  	s16 =	simm.s32 $0x280;
	s14 =	sadd.s32 $0x280, s8;
	[sflag:s9] =	ssyncset.done $0x0  }
.LBB2_2:
0x1f: {  	s17 =	sshra.s32 s15, $0x2  }
0x20: {  	[sflag:s9] =	ssyncadd.s32 $0xFFFFEC00;
	s15 =	smov.u32 s16;
	s18 =	sadd.s32 $0x140, s16  }
0x21: {  	[tilespmem:s12], [sflag:$0x1] =	stream.indirect.gather [hbm4b:s2+s11], $0x40, s17, s11, $0xb8;
	[tilespmem:$0x6220] =	vst v63  }
0x22: {  	p0 =	sne.s32 s16, $0x9B00;
	_ =	swait.ge [sflag:s9], $0x1400  }
0x23: {  	[sflag:s9] =	ssyncset.done $0x0  }
0x24: {  	s16 =	sadd.s32 $0x2710, s17;
	[sflag:s9] =	ssyncadd.s32 $0xFFFFEC00  }
0x25: {  	[tilespmem:s12], [sflag:$0x1] =	stream.indirect.gather.add.f32 [hbm:s4], $0x40, s16, s11, $0xb8;
	[tilespmem:$0x6220] =	vst v63  }
0x26: {  	_ =	swait.ge [sflag:s9], $0x1400  }
.Ltmp0:
0x27: {  	[sflag:s9] =	ssyncset.done $0x0;
	(pc) =	sbr.rel @p0 .LBB2_2-.Ltmp0, $4  }
0x28: {  	[sflag:s9] =	ssyncadd.s32 $0xFFFFEC00  }
0x29: {  	[hbm4b:s14+s3] =	stream.linear.scatter [tilespmem:s12], [sflag:$0x1], $0x1400, $0x38;
	[tilespmem:$0x6220] =	vst v63  }
0x2a: {  	_ =	swait.ge [sflag:s9], $0x1400  }
0x2b: {  	s16 =	smov.u32 s18;
	s14 =	sadd.s32 $0x280, s14;
	[sflag:s9] =	ssyncset.done $0x0  }
0x2c: {  	s15 =	sshra.s32 s15, $0x2;
	[sflag:s9] =	ssyncadd.s32 $0xFFFFEC00  }
0x2d: {  	[tilespmem:s12], [sflag:$0x1] =	stream.indirect.gather [hbm4b:s2+s11], $0x40, s15, s11, $0xb8;
	[tilespmem:$0x6220] =	vst v63  }
0x2e: {  	_ =	swait.ge [sflag:s9], $0x1400  }
0x2f: {  	[sflag:s9] =	ssyncset.done $0x0  }
0x30: {  	s15 =	sadd.s32 $0x2710, s15;
	[sflag:s9] =	ssyncadd.s32 $0xFFFFEC00  }
0x31: {  	[tilespmem:s12], [sflag:$0x1] =	stream.indirect.gather.add.f32 [hbm:s4], $0x40, s15, s11, $0xb8;
	[tilespmem:$0x6220] =	vst v63  }
0x32: {  	s13 =	sadd.s32 $0x1, s13;
	_ =	swait.ge [sflag:s9], $0x1400  }
0x33: {  	p0 =	sne.s32 s13, s7;
	[sflag:s9] =	ssyncset.done $0x0  }
.Ltmp1:
0x34: {  	[sflag:s9] =	ssyncadd.s32 $0xFFFFEC00;
	(pc) =	sbr.rel @p0 .LBB2_1-.Ltmp1, $4  }
0x35: {  	[hbm4b:s14+s3] =	stream.linear.scatter [tilespmem:s12], [sflag:$0x1], $0x1400, $0x38;
	[tilespmem:$0x6220] =	vst v63  }
0x36: {  	_ =	swait.ge [sflag:s9], $0x1400  }
0x37: {  	[sflag:s9] =	ssyncset.done $0x0  }
0x38: {  	[sflag:s9] =	ssyncadd.s32 $0xFFFFEC00  }
0x39: {  	_ =	sfence.sel $0x180000  }
0x3a: {  	[bflag:$0x0] =	sbarrier.arrive $0xFFFF  }
0x3b: {  	p0 =	sne.s32 s0, $0x0;
	_ =	strace $0x90000047  }
0x3c: {  	s0 =	sadd.s32 @!p0 $0x100000, s1;
	[bflag:$0x2] =	sbarrier.arrive $0xFFFF  }
0x3d: {  	[sflag:s0] =	ssyncadd.tile.s32 @!p0 $0x1;
	_ =	shalt  }
.Lfunc_end2:
_tile_overlayer_lowered:
.L_overlay_start_2:
0x3e: {  	(tag) =	ssettag $0x2  }
0x3f: {  	s0 =	rddreg [dreg:$0x0];
	s2 =	stileid.u32  }
0x40: {  	s1 =	rddreg [dreg:$0x1];
	p0 =	sne.s32 s2, $0x0  }
0x41: {  	s3 =	rddreg [dreg:$0x2];
	[bflag:$0x3] =	sbarrier.arrive $0xFFFF;
	s2 =	simm.s32 @!p0 $0x1C01  }
0x42: {  	[timem:s3], [sflag:s2] =	dma.local @!p0 [hbm:s0], s1  }
0x43: {  	s0 =	simm.s32 @!p0 $0x1  }
0x44: {  	_ =	swait.ge @!p0 [sflag:s0], s1  }
0x45: {  	s1 =	ssub.s32 @!p0 $0x0, s1;
	[sflag:s0] =	ssyncset.done @!p0 $0x0  }
0x46: {  	[sflag:s0] =	ssyncadd.s32 @!p0 s1  }
0x47: {  	[bflag:$0x3] =	sbarrier.arrive $0xFFFF  }
0x48: {  	_ =	shalt  }

</sc_bundles>
